<compile_context>
chip_gen: v7x
topology: tpu7x:2x2x1
jax: 0.10.2.dev20260603
libtpu: 0.0.44.dev20260713+nightly
codegen_flags: <defaults>
</compile_context>

<pallas_src>
import jax
import jax.numpy as jnp
from jax import lax
from jax.experimental import pallas as pl
from jax.experimental.pallas import tpu as pltpu
from jax.experimental.pallas import tpu_sc as plsc

D = 128
N = 1024 * 200
NW = 32
PER_W = N // NW
CH = 400
NCH = PER_W // CH
NBUF = 2
G = 1


def _embed_body(tok_hbm, tab_hbm, out_hbm, idx_v, rows_v, *sems):
    gsems = sems[:NBUF]
    ssems = sems[NBUF:]
    wid = lax.axis_index("s") * 2 + lax.axis_index("c")
    base = wid * PER_W

    pltpu.sync_copy(tok_hbm.at[pl.ds(base, PER_W)], idx_v)

    for b in range(G):
        pltpu.async_copy(
            tab_hbm.at[pl.ds(wid * 2048 + b * CH, CH)], rows_v.at[b], gsems[b]
        )

    def wait_gather(bb):
        pltpu.make_async_copy(
            tab_hbm.at[pl.ds(0, CH)], rows_v.at[bb], gsems[bb]
        ).wait()

    def wait_store(bb):
        pltpu.make_async_copy(
            rows_v.at[bb], out_hbm.at[pl.ds(0, CH)], ssems[bb]
        ).wait()

    def body(i, carry):
        for bb in range(NBUF):
            j = i * NBUF + bb
            wait_gather(bb)
            pltpu.async_copy(
                rows_v.at[bb], out_hbm.at[pl.ds(base + j * CH, CH)], ssems[bb]
            )
            nb = (bb + G) % NBUF
            nxt = j + G

            @pl.when(nxt < NCH)
            def _():
                @pl.when(nxt - NBUF >= 0)
                def _():
                    wait_store(nb)

                pltpu.async_copy(
                    tab_hbm.at[pl.ds(wid * 2048 + nxt * CH, CH)],
                    rows_v.at[nb],
                    gsems[nb],
                )
        return carry

    lax.fori_loop(0, NCH // NBUF, body, 0)

    for bb in range(NBUF):
        wait_store(bb)


def kernel(tokens, table):
    tok1 = tokens.reshape(N)
    mesh = plsc.VectorSubcoreMesh(core_axis_name="c", subcore_axis_name="s")
    out = pl.kernel(
        _embed_body,
        out_type=jax.ShapeDtypeStruct((N, D), jnp.float32),
        mesh=mesh,
        scratch_types=[
            pltpu.VMEM((PER_W,), jnp.int32),
            pltpu.VMEM((NBUF, CH, D), jnp.float32),
        ] + [pltpu.SemaphoreType.DMA] * (2 * NBUF),
    )(tok1, table)
    return out.reshape(tokens.shape[0], tokens.shape[1], D)

# --- scband reference (transcript-rebuilt; emitter-appended) ---
"""Pipeline reference for scband-basic-text-tokenizer-28836410425346 (READ-ONLY COPY).

The authoritative reference and input builder live on the scoring server;
editing this copy changes nothing except your own understanding.
"""

import jax, jax.numpy as jnp
import numpy as np

VOCAB = 100000
EMBED_DIM = 128
BATCH = 1024
SEQ = 200


def setup_inputs(seed: int = 0) -> dict:
    key = jax.random.key(seed)
    k1, k2 = jax.random.split(key)
    # Token indices produced by the (string) tokenizer in the original module.
    tokens = jax.random.randint(k1, (BATCH, SEQ), 0, VOCAB, dtype=jnp.int32)
    # Learned embedding table (nn.Embed default init ~ normal scaled).
    table = jax.random.normal(k2, (VOCAB, EMBED_DIM), dtype=jnp.float32) * 0.02
    return {"tokens": tokens, "table": table}


def reference(tokens, table):
    # Faithful translation of BasicTextTokenizer.__call__ after tokenization:
    # word_embeddings = self.embedding(text)  -> gather rows from table
    word_embeddings = jnp.take(table, tokens, axis=0)
    return word_embeddings

if __name__ == "__main__":
    import jax
    _d = setup_inputs()
    print(jax.jit(kernel)(*tuple(_d.values())))

</pallas_src>

<mosaic_0001>
#map = affine_map<(d0, d1) -> (0)>
#map1 = affine_map<(d0, d1) -> (0, 0)>
module attributes {stable_mosaic.version = 14 : i64} {
  func.func @_embed_body(%arg0: i32, %arg1: i32, %arg2: memref<204800xi32, #tpu.memory_space<hbm>>, %arg3: memref<100000x128xf32, #tpu.memory_space<hbm>>, %arg4: memref<204800x128xf32, #tpu.memory_space<hbm>>, %arg5: memref<6400xi32, #tpu.memory_space<vmem>>, %arg6: memref<2x400x128xf32, #tpu.memory_space<vmem>>, %arg7: memref<!tpu.dma_semaphore, #tpu.memory_space<semaphore_mem>>, %arg8: memref<!tpu.dma_semaphore, #tpu.memory_space<semaphore_mem>>, %arg9: memref<!tpu.dma_semaphore, #tpu.memory_space<semaphore_mem>>, %arg10: memref<!tpu.dma_semaphore, #tpu.memory_space<semaphore_mem>>) attributes {dimension_semantics = [#tpu.dimension_semantics<core_parallel>, #tpu.dimension_semantics<subcore_parallel>], iteration_bounds = array<i64: 2, 16>, scalar_prefetch = 0 : i64, scratch_operands = 6 : i64, tpu.core_type = #tpu.core_type<sc_vector_subcore>, window_params = [{transform_indices = #map}, {transform_indices = #map1}, {transform_indices = #map1}]} {
    %mul3A = arith.constant 2 : i32
    %mul3A_0 = arith.muli %arg1, %mul3A : i32
    %add3A = arith.addi %mul3A_0, %arg0 : i32
    %mul3A_1 = arith.constant 6400 : i32
    %mul3A_2 = arith.muli %add3A, %mul3A_1 : i32
    "tpu.region"() ({
      %run_scoped3A = tpu.sem_alloc : memref<!tpu.dma_semaphore, #tpu.memory_space<semaphore_mem>>
      %dma_start3A_53 = tpu.memref_slice %arg2[%mul3A_2] : memref<204800xi32, #tpu.memory_space<hbm>> -> memref<6400xi32, #tpu.memory_space<hbm>>
      %dma_start3A_54 = tpu.memref_slice %arg2[%mul3A_2] : memref<204800xi32, #tpu.memory_space<hbm>> -> memref<6400xi32, #tpu.memory_space<hbm>>
      tpu.enqueue_dma source(%dma_start3A_54 : memref<6400xi32, #tpu.memory_space<hbm>>) target(%arg5 : memref<6400xi32, #tpu.memory_space<vmem>>) target_semaphore(%run_scoped3A : memref<!tpu.dma_semaphore, #tpu.memory_space<semaphore_mem>>)
      %dma_wait3A_55 = tpu.memref_slice %arg2[%mul3A_2] : memref<204800xi32, #tpu.memory_space<hbm>> -> memref<6400xi32, #tpu.memory_space<hbm>>
      %dma_wait3A_56 = tpu.memref_slice %arg2[%mul3A_2] : memref<204800xi32, #tpu.memory_space<hbm>> -> memref<6400xi32, #tpu.memory_space<hbm>>
      tpu.wait_dma2 semaphore(%run_scoped3A : memref<!tpu.dma_semaphore, #tpu.memory_space<semaphore_mem>>) src(%dma_wait3A_56 : memref<6400xi32, #tpu.memory_space<hbm>>) dst(%arg5 : memref<6400xi32, #tpu.memory_space<vmem>>)
      tpu.yield
    }) : () -> ()
    %mul3A_3 = arith.constant 2048 : i32
    %mul3A_4 = arith.muli %add3A, %mul3A_3 : i32
    %add3A_5 = arith.constant 0 : i32
    %add3A_6 = arith.addi %mul3A_4, %add3A_5 : i32
    %dma_start3A = arith.constant 0 : i32
    %dma_start3A_7 = arith.constant 0 : i32
    %dma_start3A_8 = arith.constant 0 : i32
    %dma_start3A_9 = tpu.memref_slice %arg6[%dma_start3A, %dma_start3A_7, %dma_start3A_8] : memref<2x400x128xf32, #tpu.memory_space<vmem>> -> memref<1x400x128xf32, #tpu.memory_space<vmem>>
    %dma_start3A_10 = tpu.memref_squeeze %dma_start3A_9 : memref<1x400x128xf32, #tpu.memory_space<vmem>> -> memref<400x128xf32, #tpu.memory_space<vmem>>
    %dma_start3A_11 = arith.constant 0 : i32
    %dma_start3A_12 = tpu.memref_slice %arg3[%add3A_6, %dma_start3A_11] : memref<100000x128xf32, #tpu.memory_space<hbm>> -> memref<400x128xf32, #tpu.memory_space<hbm>>
    %dma_start3A_13 = arith.constant 0 : i32
    %dma_start3A_14 = arith.constant 0 : i32
    %dma_start3A_15 = tpu.memref_slice %arg6[%dma_start3A, %dma_start3A_13, %dma_start3A_14] : memref<2x400x128xf32, #tpu.memory_space<vmem>> -> memref<1x400x128xf32, #tpu.memory_space<vmem>>
    %dma_start3A_16 = tpu.memref_squeeze %dma_start3A_15 : memref<1x400x128xf32, #tpu.memory_space<vmem>> -> memref<400x128xf32, #tpu.memory_space<vmem>>
    %dma_start3A_17 = arith.constant 0 : i32
    %dma_start3A_18 = tpu.memref_slice %arg3[%add3A_6, %dma_start3A_17] : memref<100000x128xf32, #tpu.memory_space<hbm>> -> memref<400x128xf32, #tpu.memory_space<hbm>>
    tpu.enqueue_dma source(%dma_start3A_18 : memref<400x128xf32, #tpu.memory_space<hbm>>) target(%dma_start3A_16 : memref<400x128xf32, #tpu.memory_space<vmem>>) target_semaphore(%arg7 : memref<!tpu.dma_semaphore, #tpu.memory_space<semaphore_mem>>)
    %scan3A = arith.constant 0 : i32
    %scan3A_19 = arith.constant 0 : i32
    %scan3A_20 = arith.constant 8 : i32
    %scan3A_21 = arith.addi %scan3A_19, %scan3A_20 : i32
    %scan3A_22 = arith.constant 1 : i32
    scf.for %scan3A_53 = %scan3A_19 to %scan3A_21 step %scan3A_22  : i32 {
      %mul3A_54 = arith.constant 2 : i32
      %mul3A_55 = arith.muli %scan3A_53, %mul3A_54 : i32
      %add3A_56 = arith.constant 0 : i32
      %add3A_57 = arith.addi %mul3A_55, %add3A_56 : i32
      %dma_wait3A_58 = arith.constant 0 : i32
      %dma_wait3A_59 = arith.constant 0 : i32
      %dma_wait3A_60 = arith.constant 0 : i32
      %dma_wait3A_61 = tpu.memref_slice %arg6[%dma_wait3A_58, %dma_wait3A_59, %dma_wait3A_60] : memref<2x400x128xf32, #tpu.memory_space<vmem>> -> memref<1x400x128xf32, #tpu.memory_space<vmem>>
      %dma_wait3A_62 = tpu.memref_squeeze %dma_wait3A_61 : memref<1x400x128xf32, #tpu.memory_space<vmem>> -> memref<400x128xf32, #tpu.memory_space<vmem>>
      %dma_wait3A_63 = arith.constant 0 : i32
      %dma_wait3A_64 = arith.constant 0 : i32
      %dma_wait3A_65 = tpu.memref_slice %arg3[%dma_wait3A_63, %dma_wait3A_64] : memref<100000x128xf32, #tpu.memory_space<hbm>> -> memref<400x128xf32, #tpu.memory_space<hbm>>
      %dma_wait3A_66 = arith.constant 0 : i32
      %dma_wait3A_67 = arith.constant 0 : i32
      %dma_wait3A_68 = tpu.memref_slice %arg6[%dma_wait3A_58, %dma_wait3A_66, %dma_wait3A_67] : memref<2x400x128xf32, #tpu.memory_space<vmem>> -> memref<1x400x128xf32, #tpu.memory_space<vmem>>
      %dma_wait3A_69 = tpu.memref_squeeze %dma_wait3A_68 : memref<1x400x128xf32, #tpu.memory_space<vmem>> -> memref<400x128xf32, #tpu.memory_space<vmem>>
      %dma_wait3A_70 = arith.constant 0 : i32
      %dma_wait3A_71 = arith.constant 0 : i32
      %dma_wait3A_72 = tpu.memref_slice %arg3[%dma_wait3A_70, %dma_wait3A_71] : memref<100000x128xf32, #tpu.memory_space<hbm>> -> memref<400x128xf32, #tpu.memory_space<hbm>>
      tpu.wait_dma2 semaphore(%arg7 : memref<!tpu.dma_semaphore, #tpu.memory_space<semaphore_mem>>) src(%dma_wait3A_72 : memref<400x128xf32, #tpu.memory_space<hbm>>) dst(%dma_wait3A_69 : memref<400x128xf32, #tpu.memory_space<vmem>>)
      %mul3A_73 = arith.constant 400 : i32
      %mul3A_74 = arith.muli %add3A_57, %mul3A_73 : i32
      %add3A_75 = arith.addi %mul3A_2, %mul3A_74 : i32
      %dma_start3A_76 = arith.constant 0 : i32
      %dma_start3A_77 = arith.constant 0 : i32
      %dma_start3A_78 = arith.constant 0 : i32
      %dma_start3A_79 = tpu.memref_slice %arg6[%dma_start3A_76, %dma_start3A_77, %dma_start3A_78] : memref<2x400x128xf32, #tpu.memory_space<vmem>> -> memref<1x400x128xf32, #tpu.memory_space<vmem>>
      %dma_start3A_80 = tpu.memref_squeeze %dma_start3A_79 : memref<1x400x128xf32, #tpu.memory_space<vmem>> -> memref<400x128xf32, #tpu.memory_space<vmem>>
      %dma_start3A_81 = arith.constant 0 : i32
      %dma_start3A_82 = tpu.memref_slice %arg4[%add3A_75, %dma_start3A_81] : memref<204800x128xf32, #tpu.memory_space<hbm>> -> memref<400x128xf32, #tpu.memory_space<hbm>>
      %dma_start3A_83 = arith.constant 0 : i32
      %dma_start3A_84 = tpu.memref_slice %arg4[%add3A_75, %dma_start3A_83] : memref<204800x128xf32, #tpu.memory_space<hbm>> -> memref<400x128xf32, #tpu.memory_space<hbm>>
      %dma_start3A_85 = arith.constant 0 : i32
      %dma_start3A_86 = arith.constant 0 : i32
      %dma_start3A_87 = tpu.memref_slice %arg6[%dma_start3A_76, %dma_start3A_85, %dma_start3A_86] : memref<2x400x128xf32, #tpu.memory_space<vmem>> -> memref<1x400x128xf32, #tpu.memory_space<vmem>>
      %dma_start3A_88 = tpu.memref_squeeze %dma_start3A_87 : memref<1x400x128xf32, #tpu.memory_space<vmem>> -> memref<400x128xf32, #tpu.memory_space<vmem>>
      tpu.enqueue_dma source(%dma_start3A_88 : memref<400x128xf32, #tpu.memory_space<vmem>>) target(%dma_start3A_84 : memref<400x128xf32, #tpu.memory_space<hbm>>) target_semaphore(%arg9 : memref<!tpu.dma_semaphore, #tpu.memory_space<semaphore_mem>>)
      %add3A_89 = arith.constant 1 : i32
      %add3A_90 = arith.addi %add3A_57, %add3A_89 : i32
      %lt3A = arith.constant 16 : i32
      %lt3A_91 = arith.cmpi slt, %add3A_90, %lt3A : i32
      %convert_element_type3A = arith.extui %lt3A_91 : i1 to i32
      %cond3A = arith.constant 0 : i32
      %cond3A_92 = arith.cmpi ne, %convert_element_type3A, %cond3A : i32
      scf.if %cond3A_92 {
        %sub3A = arith.constant 2 : i32
        %sub3A_135 = arith.subi %add3A_90, %sub3A : i32
        %ge3A = arith.constant 0 : i32
        %ge3A_136 = arith.cmpi sge, %sub3A_135, %ge3A : i32
        %convert_element_type3A_137 = arith.extui %ge3A_136 : i1 to i32
        %cond3A_138 = arith.constant 0 : i32
        %cond3A_139 = arith.cmpi ne, %convert_element_type3A_137, %cond3A_138 : i32
        scf.if %cond3A_139 {
          %dma_wait3A_158 = arith.constant 1 : i32
          %dma_wait3A_159 = arith.constant 0 : i32
          %dma_wait3A_160 = arith.constant 0 : i32
          %dma_wait3A_161 = tpu.memref_slice %arg6[%dma_wait3A_158, %dma_wait3A_159, %dma_wait3A_160] : memref<2x400x128xf32, #tpu.memory_space<vmem>> -> memref<1x400x128xf32, #tpu.memory_space<vmem>>
          %dma_wait3A_162 = tpu.memref_squeeze %dma_wait3A_161 : memref<1x400x128xf32, #tpu.memory_space<vmem>> -> memref<400x128xf32, #tpu.memory_space<vmem>>
          %dma_wait3A_163 = arith.constant 0 : i32
          %dma_wait3A_164 = arith.constant 0 : i32
          %dma_wait3A_165 = tpu.memref_slice %arg4[%dma_wait3A_163, %dma_wait3A_164] : memref<204800x128xf32, #tpu.memory_space<hbm>> -> memref<400x128xf32, #tpu.memory_space<hbm>>
          %dma_wait3A_166 = arith.constant 0 : i32
          %dma_wait3A_167 = arith.constant 0 : i32
          %dma_wait3A_168 = tpu.memref_slice %arg4[%dma_wait3A_166, %dma_wait3A_167] : memref<204800x128xf32, #tpu.memory_space<hbm>> -> memref<400x128xf32, #tpu.memory_space<hbm>>
          %dma_wait3A_169 = arith.constant 0 : i32
          %dma_wait3A_170 = arith.constant 0 : i32
          %dma_wait3A_171 = tpu.memref_slice %arg6[%dma_wait3A_158, %dma_wait3A_169, %dma_wait3A_170] : memref<2x400x128xf32, #tpu.memory_space<vmem>> -> memref<1x400x128xf32, #tpu.memory_space<vmem>>
          %dma_wait3A_172 = tpu.memref_squeeze %dma_wait3A_171 : memref<1x400x128xf32, #tpu.memory_space<vmem>> -> memref<400x128xf32, #tpu.memory_space<vmem>>
          tpu.wait_dma2 semaphore(%arg10 : memref<!tpu.dma_semaphore, #tpu.memory_space<semaphore_mem>>) src(%dma_wait3A_172 : memref<400x128xf32, #tpu.memory_space<vmem>>) dst(%dma_wait3A_168 : memref<400x128xf32, #tpu.memory_space<hbm>>)
        } else {
        }
        %mul3A_140 = arith.constant 2048 : i32
        %mul3A_141 = arith.muli %add3A, %mul3A_140 : i32
        %mul3A_142 = arith.constant 400 : i32
        %mul3A_143 = arith.muli %add3A_90, %mul3A_142 : i32
        %add3A_144 = arith.addi %mul3A_141, %mul3A_143 : i32
        %dma_start3A_145 = arith.constant 1 : i32
        %dma_start3A_146 = arith.constant 0 : i32
        %dma_start3A_147 = arith.constant 0 : i32
        %dma_start3A_148 = tpu.memref_slice %arg6[%dma_start3A_145, %dma_start3A_146, %dma_start3A_147] : memref<2x400x128xf32, #tpu.memory_space<vmem>> -> memref<1x400x128xf32, #tpu.memory_space<vmem>>
        %dma_start3A_149 = tpu.memref_squeeze %dma_start3A_148 : memref<1x400x128xf32, #tpu.memory_space<vmem>> -> memref<400x128xf32, #tpu.memory_space<vmem>>
        %dma_start3A_150 = arith.constant 0 : i32
        %dma_start3A_151 = tpu.memref_slice %arg3[%add3A_144, %dma_start3A_150] : memref<100000x128xf32, #tpu.memory_space<hbm>> -> memref<400x128xf32, #tpu.memory_space<hbm>>
        %dma_start3A_152 = arith.constant 0 : i32
        %dma_start3A_153 = arith.constant 0 : i32
        %dma_start3A_154 = tpu.memref_slice %arg6[%dma_start3A_145, %dma_start3A_152, %dma_start3A_153] : memref<2x400x128xf32, #tpu.memory_space<vmem>> -> memref<1x400x128xf32, #tpu.memory_space<vmem>>
        %dma_start3A_155 = tpu.memref_squeeze %dma_start3A_154 : memref<1x400x128xf32, #tpu.memory_space<vmem>> -> memref<400x128xf32, #tpu.memory_space<vmem>>
        %dma_start3A_156 = arith.constant 0 : i32
        %dma_start3A_157 = tpu.memref_slice %arg3[%add3A_144, %dma_start3A_156] : memref<100000x128xf32, #tpu.memory_space<hbm>> -> memref<400x128xf32, #tpu.memory_space<hbm>>
        tpu.enqueue_dma source(%dma_start3A_157 : memref<400x128xf32, #tpu.memory_space<hbm>>) target(%dma_start3A_155 : memref<400x128xf32, #tpu.memory_space<vmem>>) target_semaphore(%arg8 : memref<!tpu.dma_semaphore, #tpu.memory_space<semaphore_mem>>)
      } else {
      }
      %mul3A_93 = arith.constant 2 : i32
      %mul3A_94 = arith.muli %scan3A_53, %mul3A_93 : i32
      %add3A_95 = arith.constant 1 : i32
      %add3A_96 = arith.addi %mul3A_94, %add3A_95 : i32
      %dma_wait3A_97 = arith.constant 1 : i32
      %dma_wait3A_98 = arith.constant 0 : i32
      %dma_wait3A_99 = arith.constant 0 : i32
      %dma_wait3A_100 = tpu.memref_slice %arg6[%dma_wait3A_97, %dma_wait3A_98, %dma_wait3A_99] : memref<2x400x128xf32, #tpu.memory_space<vmem>> -> memref<1x400x128xf32, #tpu.memory_space<vmem>>
      %dma_wait3A_101 = tpu.memref_squeeze %dma_wait3A_100 : memref<1x400x128xf32, #tpu.memory_space<vmem>> -> memref<400x128xf32, #tpu.memory_space<vmem>>
      %dma_wait3A_102 = arith.constant 0 : i32
      %dma_wait3A_103 = arith.constant 0 : i32
      %dma_wait3A_104 = tpu.memref_slice %arg3[%dma_wait3A_102, %dma_wait3A_103] : memref<100000x128xf32, #tpu.memory_space<hbm>> -> memref<400x128xf32, #tpu.memory_space<hbm>>
      %dma_wait3A_105 = arith.constant 0 : i32
      %dma_wait3A_106 = arith.constant 0 : i32
      %dma_wait3A_107 = tpu.memref_slice %arg6[%dma_wait3A_97, %dma_wait3A_105, %dma_wait3A_106] : memref<2x400x128xf32, #tpu.memory_space<vmem>> -> memref<1x400x128xf32, #tpu.memory_space<vmem>>
      %dma_wait3A_108 = tpu.memref_squeeze %dma_wait3A_107 : memref<1x400x128xf32, #tpu.memory_space<vmem>> -> memref<400x128xf32, #tpu.memory_space<vmem>>
      %dma_wait3A_109 = arith.constant 0 : i32
      %dma_wait3A_110 = arith.constant 0 : i32
      %dma_wait3A_111 = tpu.memref_slice %arg3[%dma_wait3A_109, %dma_wait3A_110] : memref<100000x128xf32, #tpu.memory_space<hbm>> -> memref<400x128xf32, #tpu.memory_space<hbm>>
      tpu.wait_dma2 semaphore(%arg8 : memref<!tpu.dma_semaphore, #tpu.memory_space<semaphore_mem>>) src(%dma_wait3A_111 : memref<400x128xf32, #tpu.memory_space<hbm>>) dst(%dma_wait3A_108 : memref<400x128xf32, #tpu.memory_space<vmem>>)
      %mul3A_112 = arith.constant 400 : i32
      %mul3A_113 = arith.muli %add3A_96, %mul3A_112 : i32
      %add3A_114 = arith.addi %mul3A_2, %mul3A_113 : i32
      %dma_start3A_115 = arith.constant 1 : i32
      %dma_start3A_116 = arith.constant 0 : i32
      %dma_start3A_117 = arith.constant 0 : i32
      %dma_start3A_118 = tpu.memref_slice %arg6[%dma_start3A_115, %dma_start3A_116, %dma_start3A_117] : memref<2x400x128xf32, #tpu.memory_space<vmem>> -> memref<1x400x128xf32, #tpu.memory_space<vmem>>
      %dma_start3A_119 = tpu.memref_squeeze %dma_start3A_118 : memref<1x400x128xf32, #tpu.memory_space<vmem>> -> memref<400x128xf32, #tpu.memory_space<vmem>>
      %dma_start3A_120 = arith.constant 0 : i32
      %dma_start3A_121 = tpu.memref_slice %arg4[%add3A_114, %dma_start3A_120] : memref<204800x128xf32, #tpu.memory_space<hbm>> -> memref<400x128xf32, #tpu.memory_space<hbm>>
      %dma_start3A_122 = arith.constant 0 : i32
      %dma_start3A_123 = tpu.memref_slice %arg4[%add3A_114, %dma_start3A_122] : memref<204800x128xf32, #tpu.memory_space<hbm>> -> memref<400x128xf32, #tpu.memory_space<hbm>>
      %dma_start3A_124 = arith.constant 0 : i32
      %dma_start3A_125 = arith.constant 0 : i32
      %dma_start3A_126 = tpu.memref_slice %arg6[%dma_start3A_115, %dma_start3A_124, %dma_start3A_125] : memref<2x400x128xf32, #tpu.memory_space<vmem>> -> memref<1x400x128xf32, #tpu.memory_space<vmem>>
      %dma_start3A_127 = tpu.memref_squeeze %dma_start3A_126 : memref<1x400x128xf32, #tpu.memory_space<vmem>> -> memref<400x128xf32, #tpu.memory_space<vmem>>
      tpu.enqueue_dma source(%dma_start3A_127 : memref<400x128xf32, #tpu.memory_space<vmem>>) target(%dma_start3A_123 : memref<400x128xf32, #tpu.memory_space<hbm>>) target_semaphore(%arg10 : memref<!tpu.dma_semaphore, #tpu.memory_space<semaphore_mem>>)
      %add3A_128 = arith.constant 1 : i32
      %add3A_129 = arith.addi %add3A_96, %add3A_128 : i32
      %lt3A_130 = arith.constant 16 : i32
      %lt3A_131 = arith.cmpi slt, %add3A_129, %lt3A_130 : i32
      %convert_element_type3A_132 = arith.extui %lt3A_131 : i1 to i32
      %cond3A_133 = arith.constant 0 : i32
      %cond3A_134 = arith.cmpi ne, %convert_element_type3A_132, %cond3A_133 : i32
      scf.if %cond3A_134 {
        %sub3A = arith.constant 2 : i32
        %sub3A_135 = arith.subi %add3A_129, %sub3A : i32
        %ge3A = arith.constant 0 : i32
        %ge3A_136 = arith.cmpi sge, %sub3A_135, %ge3A : i32
        %convert_element_type3A_137 = arith.extui %ge3A_136 : i1 to i32
        %cond3A_138 = arith.constant 0 : i32
        %cond3A_139 = arith.cmpi ne, %convert_element_type3A_137, %cond3A_138 : i32
        scf.if %cond3A_139 {
          %dma_wait3A_158 = arith.constant 0 : i32
          %dma_wait3A_159 = arith.constant 0 : i32
          %dma_wait3A_160 = arith.constant 0 : i32
          %dma_wait3A_161 = tpu.memref_slice %arg6[%dma_wait3A_158, %dma_wait3A_159, %dma_wait3A_160] : memref<2x400x128xf32, #tpu.memory_space<vmem>> -> memref<1x400x128xf32, #tpu.memory_space<vmem>>
          %dma_wait3A_162 = tpu.memref_squeeze %dma_wait3A_161 : memref<1x400x128xf32, #tpu.memory_space<vmem>> -> memref<400x128xf32, #tpu.memory_space<vmem>>
          %dma_wait3A_163 = arith.constant 0 : i32
          %dma_wait3A_164 = arith.constant 0 : i32
          %dma_wait3A_165 = tpu.memref_slice %arg4[%dma_wait3A_163, %dma_wait3A_164] : memref<204800x128xf32, #tpu.memory_space<hbm>> -> memref<400x128xf32, #tpu.memory_space<hbm>>
          %dma_wait3A_166 = arith.constant 0 : i32
          %dma_wait3A_167 = arith.constant 0 : i32
          %dma_wait3A_168 = tpu.memref_slice %arg4[%dma_wait3A_166, %dma_wait3A_167] : memref<204800x128xf32, #tpu.memory_space<hbm>> -> memref<400x128xf32, #tpu.memory_space<hbm>>
          %dma_wait3A_169 = arith.constant 0 : i32
          %dma_wait3A_170 = arith.constant 0 : i32
          %dma_wait3A_171 = tpu.memref_slice %arg6[%dma_wait3A_158, %dma_wait3A_169, %dma_wait3A_170] : memref<2x400x128xf32, #tpu.memory_space<vmem>> -> memref<1x400x128xf32, #tpu.memory_space<vmem>>
          %dma_wait3A_172 = tpu.memref_squeeze %dma_wait3A_171 : memref<1x400x128xf32, #tpu.memory_space<vmem>> -> memref<400x128xf32, #tpu.memory_space<vmem>>
          tpu.wait_dma2 semaphore(%arg9 : memref<!tpu.dma_semaphore, #tpu.memory_space<semaphore_mem>>) src(%dma_wait3A_172 : memref<400x128xf32, #tpu.memory_space<vmem>>) dst(%dma_wait3A_168 : memref<400x128xf32, #tpu.memory_space<hbm>>)
        } else {
        }
        %mul3A_140 = arith.constant 2048 : i32
        %mul3A_141 = arith.muli %add3A, %mul3A_140 : i32
        %mul3A_142 = arith.constant 400 : i32
        %mul3A_143 = arith.muli %add3A_129, %mul3A_142 : i32
        %add3A_144 = arith.addi %mul3A_141, %mul3A_143 : i32
        %dma_start3A_145 = arith.constant 0 : i32
        %dma_start3A_146 = arith.constant 0 : i32
        %dma_start3A_147 = arith.constant 0 : i32
        %dma_start3A_148 = tpu.memref_slice %arg6[%dma_start3A_145, %dma_start3A_146, %dma_start3A_147] : memref<2x400x128xf32, #tpu.memory_space<vmem>> -> memref<1x400x128xf32, #tpu.memory_space<vmem>>
        %dma_start3A_149 = tpu.memref_squeeze %dma_start3A_148 : memref<1x400x128xf32, #tpu.memory_space<vmem>> -> memref<400x128xf32, #tpu.memory_space<vmem>>
        %dma_start3A_150 = arith.constant 0 : i32
        %dma_start3A_151 = tpu.memref_slice %arg3[%add3A_144, %dma_start3A_150] : memref<100000x128xf32, #tpu.memory_space<hbm>> -> memref<400x128xf32, #tpu.memory_space<hbm>>
        %dma_start3A_152 = arith.constant 0 : i32
        %dma_start3A_153 = arith.constant 0 : i32
        %dma_start3A_154 = tpu.memref_slice %arg6[%dma_start3A_145, %dma_start3A_152, %dma_start3A_153] : memref<2x400x128xf32, #tpu.memory_space<vmem>> -> memref<1x400x128xf32, #tpu.memory_space<vmem>>
        %dma_start3A_155 = tpu.memref_squeeze %dma_start3A_154 : memref<1x400x128xf32, #tpu.memory_space<vmem>> -> memref<400x128xf32, #tpu.memory_space<vmem>>
        %dma_start3A_156 = arith.constant 0 : i32
        %dma_start3A_157 = tpu.memref_slice %arg3[%add3A_144, %dma_start3A_156] : memref<100000x128xf32, #tpu.memory_space<hbm>> -> memref<400x128xf32, #tpu.memory_space<hbm>>
        tpu.enqueue_dma source(%dma_start3A_157 : memref<400x128xf32, #tpu.memory_space<hbm>>) target(%dma_start3A_155 : memref<400x128xf32, #tpu.memory_space<vmem>>) target_semaphore(%arg7 : memref<!tpu.dma_semaphore, #tpu.memory_space<semaphore_mem>>)
      } else {
      }
    }
    %scan3A_23 = arith.constant 8 : i32
    %dma_wait3A = arith.constant 0 : i32
    %dma_wait3A_24 = arith.constant 0 : i32
    %dma_wait3A_25 = arith.constant 0 : i32
    %dma_wait3A_26 = tpu.memref_slice %arg6[%dma_wait3A, %dma_wait3A_24, %dma_wait3A_25] : memref<2x400x128xf32, #tpu.memory_space<vmem>> -> memref<1x400x128xf32, #tpu.memory_space<vmem>>
    %dma_wait3A_27 = tpu.memref_squeeze %dma_wait3A_26 : memref<1x400x128xf32, #tpu.memory_space<vmem>> -> memref<400x128xf32, #tpu.memory_space<vmem>>
    %dma_wait3A_28 = arith.constant 0 : i32
    %dma_wait3A_29 = arith.constant 0 : i32
    %dma_wait3A_30 = tpu.memref_slice %arg4[%dma_wait3A_28, %dma_wait3A_29] : memref<204800x128xf32, #tpu.memory_space<hbm>> -> memref<400x128xf32, #tpu.memory_space<hbm>>
    %dma_wait3A_31 = arith.constant 0 : i32
    %dma_wait3A_32 = arith.constant 0 : i32
    %dma_wait3A_33 = tpu.memref_slice %arg4[%dma_wait3A_31, %dma_wait3A_32] : memref<204800x128xf32, #tpu.memory_space<hbm>> -> memref<400x128xf32, #tpu.memory_space<hbm>>
    %dma_wait3A_34 = arith.constant 0 : i32
    %dma_wait3A_35 = arith.constant 0 : i32
    %dma_wait3A_36 = tpu.memref_slice %arg6[%dma_wait3A, %dma_wait3A_34, %dma_wait3A_35] : memref<2x400x128xf32, #tpu.memory_space<vmem>> -> memref<1x400x128xf32, #tpu.memory_space<vmem>>
    %dma_wait3A_37 = tpu.memref_squeeze %dma_wait3A_36 : memref<1x400x128xf32, #tpu.memory_space<vmem>> -> memref<400x128xf32, #tpu.memory_space<vmem>>
    tpu.wait_dma2 semaphore(%arg9 : memref<!tpu.dma_semaphore, #tpu.memory_space<semaphore_mem>>) src(%dma_wait3A_37 : memref<400x128xf32, #tpu.memory_space<vmem>>) dst(%dma_wait3A_33 : memref<400x128xf32, #tpu.memory_space<hbm>>)
    %dma_wait3A_38 = arith.constant 1 : i32
    %dma_wait3A_39 = arith.constant 0 : i32
    %dma_wait3A_40 = arith.constant 0 : i32
    %dma_wait3A_41 = tpu.memref_slice %arg6[%dma_wait3A_38, %dma_wait3A_39, %dma_wait3A_40] : memref<2x400x128xf32, #tpu.memory_space<vmem>> -> memref<1x400x128xf32, #tpu.memory_space<vmem>>
    %dma_wait3A_42 = tpu.memref_squeeze %dma_wait3A_41 : memref<1x400x128xf32, #tpu.memory_space<vmem>> -> memref<400x128xf32, #tpu.memory_space<vmem>>
    %dma_wait3A_43 = arith.constant 0 : i32
    %dma_wait3A_44 = arith.constant 0 : i32
    %dma_wait3A_45 = tpu.memref_slice %arg4[%dma_wait3A_43, %dma_wait3A_44] : memref<204800x128xf32, #tpu.memory_space<hbm>> -> memref<400x128xf32, #tpu.memory_space<hbm>>
    %dma_wait3A_46 = arith.constant 0 : i32
    %dma_wait3A_47 = arith.constant 0 : i32
    %dma_wait3A_48 = tpu.memref_slice %arg4[%dma_wait3A_46, %dma_wait3A_47] : memref<204800x128xf32, #tpu.memory_space<hbm>> -> memref<400x128xf32, #tpu.memory_space<hbm>>
    %dma_wait3A_49 = arith.constant 0 : i32
    %dma_wait3A_50 = arith.constant 0 : i32
    %dma_wait3A_51 = tpu.memref_slice %arg6[%dma_wait3A_38, %dma_wait3A_49, %dma_wait3A_50] : memref<2x400x128xf32, #tpu.memory_space<vmem>> -> memref<1x400x128xf32, #tpu.memory_space<vmem>>
    %dma_wait3A_52 = tpu.memref_squeeze %dma_wait3A_51 : memref<1x400x128xf32, #tpu.memory_space<vmem>> -> memref<400x128xf32, #tpu.memory_space<vmem>>
    tpu.wait_dma2 semaphore(%arg10 : memref<!tpu.dma_semaphore, #tpu.memory_space<semaphore_mem>>) src(%dma_wait3A_52 : memref<400x128xf32, #tpu.memory_space<vmem>>) dst(%dma_wait3A_48 : memref<400x128xf32, #tpu.memory_space<hbm>>)
    return
  }
}

</mosaic_0001>

<sc_bundles>
// kernel: kernel.3.cloned.1.call-start
scs
__scs_entry_jumppad:
0x0: {  	(pc) =	sbr.rel $0x88, $3  }
0x1: {  	(tag) =	ssettag $0x0;
	lr =	simm.s32 $0x1  }
0x2: {  	[smem:$0x3F9F] =	sst lr;
	_ =	strace $0xD0000000  }
0x3: {  	_ = 	snop  }
0x4: {  	_ = 	snop  }
0x5: {  	_ = 	snop  }
0x6: {  	_ = 	snop  }
0x7: {  	_ = 	snop  }
__scs_overlays_trampoline_lowered:
0x8: {  	[smem:$0x3FAE] =	sst s0  }
0x9: {  	[smem:$0x3FAF] =	sst s1  }
0xa: {  	[smem:$0x3FB0] =	sst s2  }
0xb: {  	[smem:$0x3FB1] =	sst s3  }
0xc: {  	[smem:$0x3FB2] =	sst s4  }
0xd: {  	[smem:$0x3FB3] =	sst s5  }
0xe: {  	[smem:$0x3FB4] =	sst s6  }
0xf: {  	[smem:$0x3FB5] =	sst s7  }
0x10: {  	[smem:$0x3FB6] =	sst s8  }
0x11: {  	[smem:$0x3FB7] =	sst s9;
	s0 =	simm.s32 @!p0 $0x0  }
0x12: {  	s1 =	sld [smem:$0x3F9D];
	s0 =	simm.s32 @p0 $0x1  }
0x13: {  	[smem:$0x3FB8] =	sst s0;
	s0 =	simm.s32 @!p1 $0x0  }
0x14: {  	s2 =	sld [smem:$0x3F9C];
	s0 =	simm.s32 @p1 $0x1  }
0x15: {  	[smem:$0x3FB9] =	sst s0;
	s0 =	simm.s32 @!p2 $0x0  }
0x16: {  	s3 =	sld [smem:$0x3FDB];
	s0 =	simm.s32 @p2 $0x1  }
0x17: {  	s4 =	simm.s32 $0x1BF5;
	[smem:$0x3FBB] =	sst s0  }
0x18: {  	s0 =	sld [smem:$0x3F9E];
	_ =	swait.ge [sflag:s4], $0x0  }
0x19: {  	s7 =	sld [smem:$0x3F9F]  }
0x1a: {  	s8 =	sadd.s32 $0xFFFFE003, lr  }
0x1b: {  	s9 =	sadd.s32 $0xFFFFFEF7, lr;
	s5 =	simm.s32 $0xFFFFFFFF;
	p2 =	slt.u32 s8, $0xFFFFF086  }
0x1c: {  	p1 =	slt.u32 s9, $0xF7A;
	s5 =	simm.s32 @!p2 $0x0  }
0x1d: {  	s5 =	simm.s32 @p1 $0x1;
	p0 =	seq.s32 s7, s2  }
0x1e: {  	s7 =	smul.u32 @!p0 $0xF7A, s2;
	p2 =	seq.s32 @!p0 s5, $0x0  }
0x1f: {  	s9 =	smul.u32 $0xF7A, s1;
	s8 =	simm.s32 @!p0 $0x1BF5;
	p2 =	por !p2, p0  }
0x20: {  	[sflag:s8] =	ssyncset.s32 @!p0 $0xFFFFF086;
	s6 =	sadd.s32 @!p0 s3, s7;
	s7 =	simm.s32 @!p0 $0x108  }
0x21: {  	s3 =	sadd.s32 s3, s9;
	s6 =	sadd.s32 @!p0 $0x88, s6;
	s7 =	simm.s32 @p2 $0x1082  }
0x22: {  	[simem:s7], [sflag:s8] =	dma.local @!p0 [hbm:s6], $0xF7A  }
0x23: {  	s9 =	sor.u32 $0xD0000000, s2;
	s6 =	simm.s32 $0x108;
	_ =	swait.ge @!p0 [sflag:s8], $0x0  }
0x24: {  	s3 =	sadd.s32 $0x88, s3;
	s6 =	simm.s32 @!p1 $0x1082;
	[sflag:s4] =	ssyncset.s32 $0xFFFFF086  }
0x25: {  	[simem:s6], [sflag:s4] =	dma.local [hbm:s3], $0xF7A  }
0x26: {  	[smem:$0x3F9F] =	sst s1;
	(tag) =	ssettag s2;
	_ =	strace s9  }
0x27: {  	s1 =	sld [smem:$0x3FAF]  }
0x28: {  	s2 =	sld [smem:$0x3FB0]  }
0x29: {  	s4 =	sld [smem:$0x3FB2]  }
0x2a: {  	p0 =	seq.s32 s5, $0x0;
	s5 =	sld [smem:$0x3FB3]  }
0x2b: {  	s6 =	sld [smem:$0x3FB4]  }
0x2c: {  	s7 =	sld [smem:$0x3FB5]  }
0x2d: {  	s3 =	simm.s32 $0x108;
	s8 =	sld [smem:$0x3FB6]  }
0x2e: {  	s3 =	simm.s32 @!p0 $0x1082;
	s9 =	sld [smem:$0x3FB7]  }
0x2f: {  	lr =	sadd.s32 s0, s3;
	s0 =	sld [smem:$0x3FAE]  }
0x30: {  	s3 =	sld [smem:$0x3FB1]  }
0x31: {  	[smem:$0x3FBA] =	sst s10  }
0x32: {  	s10 =	sld [smem:$0x3FB8];
	_ =	sdelay $0x3  }
0x33: {  	p0 =	seq.s32 s10, $0x1;
	s10 =	sld [smem:$0x3FBA];
	_ =	sdelay $0x3  }
0x34: {  	[smem:$0x3FBA] =	sst s10  }
0x35: {  	s10 =	sld [smem:$0x3FB9];
	_ =	sdelay $0x3  }
0x36: {  	p1 =	seq.s32 s10, $0x1;
	s10 =	sld [smem:$0x3FBA];
	_ =	sdelay $0x3  }
0x37: {  	[smem:$0x3FBA] =	sst s10  }
0x38: {  	s10 =	sld [smem:$0x3FBB]  }
0x39: {  	_ = 	snop;
	(pc) =	sbr.ind lr, $3  }
0x3a: {  	_ = 	snop  }
0x3b: {  	_ = 	snop  }
0x3c: {  	p2 =	seq.s32 s10, $0x1;
	s10 =	sld [smem:$0x3FBA]  }
0x3d: {  	_ =	shalt  }
0x3e: {  	_ =	shalt  }
0x3f: {  	_ =	shalt  }
0x40: {  	_ =	shalt  }
0x41: {  	_ =	shalt  }
0x42: {  	_ =	shalt  }
0x43: {  	_ =	shalt  }
0x44: {  	_ =	shalt  }
0x45: {  	_ =	shalt  }
0x46: {  	_ =	shalt  }
0x47: {  	_ =	shalt  }
0x48: {  	_ =	shalt  }
0x49: {  	_ =	shalt  }
0x4a: {  	_ =	shalt  }
0x4b: {  	_ =	shalt  }
0x4c: {  	_ =	shalt  }
0x4d: {  	_ =	shalt  }
0x4e: {  	_ =	shalt  }
0x4f: {  	_ =	shalt  }
0x50: {  	_ =	shalt  }
0x51: {  	_ =	shalt  }
0x52: {  	_ =	shalt  }
0x53: {  	_ =	shalt  }
0x54: {  	_ =	shalt  }
0x55: {  	_ =	shalt  }
0x56: {  	_ =	shalt  }
0x57: {  	_ =	shalt  }
0x58: {  	_ =	shalt  }
0x59: {  	_ =	shalt  }
0x5a: {  	_ =	shalt  }
0x5b: {  	_ =	shalt  }
0x5c: {  	_ =	shalt  }
0x5d: {  	_ =	shalt  }
0x5e: {  	_ =	shalt  }
0x5f: {  	_ =	shalt  }
0x60: {  	_ =	shalt  }
0x61: {  	_ =	shalt  }
0x62: {  	_ =	shalt  }
0x63: {  	_ =	shalt  }
0x64: {  	_ =	shalt  }
0x65: {  	_ =	shalt  }
0x66: {  	_ =	shalt  }
0x67: {  	_ =	shalt  }
0x68: {  	_ =	shalt  }
0x69: {  	_ =	shalt  }
0x6a: {  	_ =	shalt  }
0x6b: {  	_ =	shalt  }
0x6c: {  	_ =	shalt  }
0x6d: {  	_ =	shalt  }
0x6e: {  	_ =	shalt  }
0x6f: {  	_ =	shalt  }
0x70: {  	_ =	shalt  }
0x71: {  	_ =	shalt  }
0x72: {  	_ =	shalt  }
0x73: {  	_ =	shalt  }
0x74: {  	_ =	shalt  }
0x75: {  	_ =	shalt  }
0x76: {  	_ =	shalt  }
0x77: {  	_ =	shalt  }
0x78: {  	_ =	shalt  }
0x79: {  	_ =	shalt  }
0x7a: {  	_ =	shalt  }
0x7b: {  	_ =	shalt  }
0x7c: {  	_ =	shalt  }
0x7d: {  	_ =	shalt  }
0x7e: {  	_ =	shalt  }
0x7f: {  	_ =	shalt  }
0x80: {  	_ =	shalt  }
0x81: {  	_ =	shalt  }
0x82: {  	_ =	shalt  }
0x83: {  	_ =	shalt  }
0x84: {  	_ =	shalt  }
0x85: {  	_ =	shalt  }
0x86: {  	_ =	shalt  }
0x87: {  	_ =	shalt  }
.Lfunc_end0:
.L_simem_size_0:
called_computation_lowered:
.L_overlay_start_0:
0x88: {  	s2 =	sld [smem:$0x3FD9]  }
0x89: {  	s3 =	sld [smem:$0x3FFE];
	_ =	sdelay $0x1  }
0x8a: {  	s1 =	srdreg.scid  }
0x8b: {  	s0 =	sand.u32 $0x1, s1  }
0x8c: {  	s17 =	sshll.u32 s0, $0xA;
	s2 =	sadd.s32 s3, s2  }
0x8d: {  	s2 =	sadd.s32 s2, s17  }
0x8e: {  	[smem:$0x3FC6] =	sst s2  }
0x8f: {  	_ = 	snop  }
0x90: {  	s2 =	sld [smem:$0x3FC8]  }
0x91: {  	s18 =	sld [smem:$0x3FD0];
	(tm) =	ssettm $0x1  }
0x92: {  	s4 =	sld [smem:$0x3FFB];
	_ =	sdelay $0x3  }
0x93: {  	_ =	strace s4  }
0x94: {  	s4 =	sld [smem:$0x3FFC];
	_ =	sdelay $0x3  }
0x95: {  	_ =	strace s4  }
0x96: {  	s4 =	sld [smem:$0x3FFD];
	_ =	sdelay $0x3  }
0x97: {  	_ =	strace s4  }
0x98: {  	_ =	strace $0x8FFFFFFF  }
0x99: {  	s19 =	sld [smem:$0x3FDB];
	_ =	sdelay $0x1  }
0x9a: {  	s5 =	simm.s32 $_scs_section_size  }
0x9b: {  	s6 =	simm.s32 $_size__tile_overlayer_lowered;
	s7 =	simm.s32 $_tile_overlayer_lowered  }
0x9c: {  	s22 =	simm.s32 $0x1BFF;
	s21 =	sshll.u32 s7, $0x1;
	s4 =	sadd.s32 s5, s19  }
0x9d: {  	s8 =	simm.s32 $0x0;
	s20 =	sshll.u32 s6, $0x1;
	s6 =	sadd.s32 s21, s4  }
0x9e: {  	[timem:s8], [sflag:s22] =	dma.local [hbm:s6], s20  }
0x9f: {  	_ =	swait.ge [sflag:s22], s20  }
0xa0: {  	s5 =	ssub.s32 $0x0, s20;
	[sflag:s22] =	ssyncset.done $0x0  }
0xa1: {  	[sflag:s22] =	ssyncadd.s32 s5;
	_ =	sdelay $0x1  }
0xa2: {  	s23 =	simm.s32 $0x1B8B  }
0xa3: {  	_ =	swait.ge [sflag:s23], $0x1  }
0xa4: {  	[sflag:s23] =	ssyncset.done $0x0  }
0xa5: {  	s25 =	simm.s32 $0x1B8E;
	s24 =	sld [smem:$0x3FFE];
	[sflag:s23] =	ssyncadd.s32 $0xFFFFFFFF  }
0xa6: {  	s26 =	simm.s32 $execute0_lowered;
	[smem:$0x3FD2] =	sst s25  }
0xa7: {  	s6 =	sshll.u32 s26, $0x1;
	_ =	strace $0x80000046;
	[dreg:$0x1] =	wrdreg $0xFFFFFFFF  }
0xa8: {  	s28 =	simm.s32 $_size_execute0_lowered;
	s4 =	sadd.s32 s4, s6;
	[dreg:$0x0] =	wrdreg $0x0  }
0xa9: {  	s6 =	sshll.u32 s28, $0x1;
	[dreg:$0x2] =	wrdreg s4  }
0xaa: {  	[dreg:$0x3] =	wrdreg s6  }
0xab: {  	[dreg:$0x4] =	wrdreg $0xC0  }
0xac: {  	_ =	task [dreg:s8], $0x5FFFF  }
0xad: {  	[dreg:$0x1] =	wrdreg $0xFFFFFFFF  }
0xae: {  	[dreg:$0x0] =	wrdreg $0x60  }
0xaf: {  	[dreg:$0x2] =	wrdreg s24  }
0xb0: {  	[dreg:$0x3] =	wrdreg s2  }
0xb1: {  	[dreg:$0x4] =	wrdreg s18  }
0xb2: {  	[dreg:$0x5] =	wrdreg $0x9  }
0xb3: {  	_ =	task.clear_ibuf [dreg:s8], $0x6FFFF;
	_ =	strace $0x90000046  }
0xb4: {  	s29 =	simm.s32 $0x9;
	_ =	strace $0x80000048  }
0xb5: {  	_ =	swait.ge [sflag:s29], $0x1  }
0xb6: {  	[sflag:s29] =	ssyncadd.s32 $0xFFFFFFFF  }
0xb7: {  	_ =	strace $0x90000048  }
0xb8: {  	_ =	sfence  }
0xb9: {  	s30 =	sld [smem:$0x0];
	_ =	sdelay $0x2  }
0xba: {  	s31 =	sshll.u32 s1, $0xD;
	s1 =	sshrl.u32 s1, $0x2  }
0xbb: {  	s3 =	sand.u32 $0x4000, s31;
	s1 =	sadd.s32 s1, s30  }
0xbc: {  	s0 =	sor.u32 s3, s0;
	s1 =	sshll.u32 s1, $0x11  }
0xbd: {  	s0 =	sor.u32 s1, s0  }
0xbe: {  	s0 =	sadd.s32 $0x8F2B, s0  }
0xbf: {  	[sflag:s0] =	ssyncadd.remote.s32 $0x1  }
0xc0: {  	_ =	sfence.sel $0xFFFF  }
0xc1: {  	[dreg:$0x0] =	wrdreg $0xFFFFFFFF;
	(pc) =	sbr.abs _section_cstart, $3  }
0xc2: {  	[dreg:$0x1] =	wrdreg $0xFFFFFFFF  }
0xc3: {  	_ =	task.clear_ibuf [dreg:s8], $0x2FFFF;
	_ =	strace $0x9FFFFFFF  }
0xc4: {  	(tm) =	ssettm $0x7FFFFFFF  }
0xc5: {  	_ =	shalt  }
tec
execute0_lowered:
.L_overlay_start_1:
0x0: {  	(tag) =	ssettag $0x1  }
0x1: {  	s3 =	rddreg [dreg:$0x0]  }
0x2: {  	s1 =	srdreg.scid;
	s10 =	rddreg [dreg:$0x1]  }
0x3: {  	s0 =	stileid.u32;
	s11 =	rddreg [dreg:$0x2]  }
0x4: {  	s2 =	simm.s32 $0x0;
	s15 =	simm.s32 $0xE100;
	s16 =	simm.s32 $0x2  }
0x5: {  	s17 =	simm.s32 $0x3;
	s18 =	simm.s32 $0x4;
	s19 =	simm.s32 $0x0  }
0x6: {  	s9 =	sand.u32 $0x1, s1;
	s29 =	sshll.u32 s0, $0x1;
	s1 =	rddreg [dreg:$0x3]  }
0x7: {  	[smem:$0x7FF] =	sst s2;
	s12 =	sshll.u32 s0, $0x10;
	s13 =	smul.u32 $0x32000, s0  }
0x8: {  	s4 =	sor.u32 s9, s29;
	_ =	strace $0x80000047;
	s14 =	smul.u32 $0x19000, s9  }
0x9: {  	s30 =	ssub.s32 $0x2, s9;
	s31 =	sshll.u32 s9, $0xF;
	s5 =	smul.u32 $0x1900, s4  }
0xa: {  	s6 =	sshrl.u32 s30, $0x1;
	s7 =	sshll.u32 s4, $0xF;
	s8 =	smul.u32 $0x19000, s4  }
0xb: {  	s4 =	sadd.s32 s10, s7;
	s10 =	sadd.s32 s12, s10;
	s12 =	simm.s32 $0x5  }
.Ltmp0:
0xc: {  	s5 =	sshrl.u32 s5, $0x3;
	s7 =	sadd.s32 $0x1900, s4;
	(pc) =	sbr.rel .LBB2_1-.Ltmp0, $4  }
0xd: {  	s9 =	sadd.s32 $0x3200, s4;
	s10 =	sadd.s32 s31, s10;
	s3 =	sadd.s32 s5, s3  }
0xe: {  	s5 =	ssub.s32 s30, s6;
	s6 =	sadd.s32 s11, s8;
	s11 =	sadd.s32 s13, s11  }
0xf: {  	s13 =	simm.s32 $0x1900;
	s3 =	sadd.s32 $0x400, s3;
	s5 =	smax.u32 s5, $0x1  }
0x10: {  	s8 =	sadd.s32 $0x1900, s6;
	s11 =	sadd.s32 s14, s11;
	s14 =	simm.s32 $0x1  }
.LBB2_4:
0x11: {  	s19 =	sadd.s32 $0x1, s19  }
0x12: {  	p0 =	sne.s32 s19, s5  }
.Ltmp1:
0x13: {  	_ = 	snop;
	(pc) =	sbr.rel @!p0 .LBB2_5-.Ltmp1, $4  }
0x14: {  	_ = 	snop  }
0x15: {  	_ =	swait.ge [sflag:s18], $0xC800  }
0x16: {  	[sflag:s18] =	ssyncset.done $0x0  }
0x17: {  	[sflag:s18] =	ssyncadd.s32 $0xFFFF3800  }
.LBB2_1:
0x18: {  	[tilespmem:s2], [sflag:$0x5] =	stream.linear.gather [hbm4b:s3+s2], $0x1900, $0x38;
	[tilespmem:$0x1A900] =	vst v63  }
0x19: {  	_ =	swait.ge [sflag:s12], $0x1900  }
0x1a: {  	[sflag:s12] =	ssyncset.done $0x0  }
0x1b: {  	[sflag:s12] =	ssyncadd.s32 $0xFFFFE700  }
0x1c: {  	[tilespmem:s13], [sflag:$0x1] =	stream.linear.gather [hbm4b:s4+s2], $0xC800, $0x38;
	[tilespmem:$0x1A900] =	vst v63  }
0x1d: {  	_ =	swait.ge [sflag:s14], $0xC800  }
0x1e: {  	[sflag:s14] =	ssyncset.done $0x0  }
0x1f: {  	[sflag:s14] =	ssyncadd.s32 $0xFFFF3800  }
0x20: {  	[hbm4b:s6+s2] =	stream.linear.scatter [tilespmem:s13], [sflag:$0x3], $0xC800, $0x38;
	[tilespmem:$0x1A900] =	vst v63  }
0x21: {  	_ = 	snop  }
0x22: {  	[tilespmem:s15], [sflag:$0x2] =	stream.linear.gather [hbm4b:s7+s2], $0xC800, $0x38;
	[tilespmem:$0x1A900] =	vst v63  }
0x23: {  	_ =	swait.ge [sflag:s16], $0xC800  }
0x24: {  	[sflag:s16] =	ssyncset.done $0x0  }
0x25: {  	[sflag:s16] =	ssyncadd.s32 $0xFFFF3800  }
0x26: {  	[hbm4b:s8+s2] =	stream.linear.scatter [tilespmem:s15], [sflag:$0x4], $0xC800, $0x38;
	[tilespmem:$0x1A900] =	vst v63  }
0x27: {  	_ =	swait.ge [sflag:s17], $0xC800  }
0x28: {  	[sflag:s17] =	ssyncset.done $0x0  }
0x29: {  	s20 =	simm.s32 $0x0;
	[sflag:s17] =	ssyncadd.s32 $0xFFFF3800  }
0x2a: {  	[tilespmem:s13], [sflag:$0x1] =	stream.linear.gather [hbm4b:s9+s2], $0xC800, $0x38;
	[tilespmem:$0x1A900] =	vst v63  }
.LBB2_2:
0x2b: {  	_ =	swait.ge [sflag:s14], $0xC800  }
0x2c: {  	s22 =	sadd.s32 s20, s11;
	[sflag:s14] =	ssyncset.done $0x0  }
0x2d: {  	s21 =	sadd.s32 $0x3200, s22;
	[sflag:s14] =	ssyncadd.s32 $0xFFFF3800  }
0x2e: {  	[hbm4b:s21+s2] =	stream.linear.scatter [tilespmem:s13], [sflag:$0x3], $0xC800, $0x38;
	[tilespmem:$0x1A900] =	vst v63  }
0x2f: {  	_ =	swait.ge [sflag:s18], $0xC800  }
0x30: {  	s21 =	sadd.s32 s20, s10;
	[sflag:s18] =	ssyncset.done $0x0  }
0x31: {  	s23 =	sadd.s32 $0x4B00, s21;
	[sflag:s18] =	ssyncadd.s32 $0xFFFF3800  }
0x32: {  	[tilespmem:s15], [sflag:$0x2] =	stream.linear.gather [hbm4b:s23+s2], $0xC800, $0x38;
	[tilespmem:$0x1A900] =	vst v63  }
0x33: {  	_ =	swait.ge [sflag:s16], $0xC800  }
0x34: {  	p0 =	seq.s32 s20, $0x12C00;
	[sflag:s16] =	ssyncset.done $0x0  }
.Ltmp2:
0x35: {  	s22 =	sadd.s32 $0x4B00, s22;
	[sflag:s16] =	ssyncadd.s32 $0xFFFF3800;
	(pc) =	sbr.rel @p0 .LBB2_4-.Ltmp2, $4  }
0x36: {  	[hbm4b:s22+s2] =	stream.linear.scatter [tilespmem:s15], [sflag:$0x4], $0xC800, $0x38;
	[tilespmem:$0x1A900] =	vst v63  }
0x37: {  	_ =	swait.ge [sflag:s17], $0xC800  }
0x38: {  	[sflag:s17] =	ssyncset.done $0x0  }
0x39: {  	[sflag:s17] =	ssyncadd.s32 $0xFFFF3800  }
.Ltmp3:
0x3a: {  	(pc) =	sbr.rel .LBB2_2-.Ltmp3, $3  }
0x3b: {  	_ =	sdelay $0x1  }
0x3c: {  	s21 =	sadd.s32 $0x6400, s21;
	s20 =	sadd.s32 $0x3200, s20  }
0x3d: {  	[tilespmem:s13], [sflag:$0x1] =	stream.linear.gather [hbm4b:s21+s2], $0xC800, $0x38;
	[tilespmem:$0x1A900] =	vst v63  }
.LBB2_5:
0x3e: {  	_ =	sfence.sel $0x180000  }
0x3f: {  	[bflag:$0x0] =	sbarrier.arrive $0xFFFF  }
0x40: {  	p0 =	sne.s32 s0, $0x0;
	_ =	strace $0x90000047  }
0x41: {  	s0 =	sadd.s32 @!p0 $0x100000, s1;
	[bflag:$0x2] =	sbarrier.arrive $0xFFFF  }
0x42: {  	[sflag:s0] =	ssyncadd.tile.s32 @!p0 $0x1;
	_ =	shalt  }
.Lfunc_end2:
_tile_overlayer_lowered:
.L_overlay_start_2:
0x43: {  	(tag) =	ssettag $0x2  }
0x44: {  	s0 =	rddreg [dreg:$0x0];
	s2 =	stileid.u32  }
0x45: {  	s1 =	rddreg [dreg:$0x1];
	p0 =	sne.s32 s2, $0x0  }
0x46: {  	s3 =	rddreg [dreg:$0x2];
	[bflag:$0x3] =	sbarrier.arrive $0xFFFF;
	s2 =	simm.s32 @!p0 $0x1C05  }
0x47: {  	[timem:s3], [sflag:s2] =	dma.local @!p0 [hbm:s0], s1  }
0x48: {  	s0 =	simm.s32 @!p0 $0x5  }
0x49: {  	_ =	swait.ge @!p0 [sflag:s0], s1  }
0x4a: {  	s1 =	ssub.s32 @!p0 $0x0, s1;
	[sflag:s0] =	ssyncset.done @!p0 $0x0  }
0x4b: {  	[sflag:s0] =	ssyncadd.s32 @!p0 s1  }
0x4c: {  	[bflag:$0x3] =	sbarrier.arrive $0xFFFF  }
0x4d: {  	_ =	shalt  }

</sc_bundles>
